<compile_context>
chip_gen: v7x
topology: tpu7x:2x2x1
jax: 0.10.2.dev20260603
libtpu: 0.0.44.dev20260713+nightly
codegen_flags: <defaults>
</compile_context>

<pallas_src>
import functools

import jax
import jax.numpy as jnp
from jax import lax
from jax.experimental import pallas as pl
from jax.experimental.pallas import tpu as pltpu
from jax.experimental.pallas import tpu_sc as plsc

N_ROWS = 100000
EMB = 512

_NC = 2
_NS = 16
_NW = _NC * _NS

TC_ROWS = 100096
TC_BLOCK = 4352

_SC_PARAMS = pltpu.CompilerParams(needs_layout_passes=False)


def _tc_proj_body(t_ref, w_ref, b_ref, out_ref):
    s = jnp.sum(t_ref[...] * w_ref[...], axis=1)
    out_ref[...] = (s.reshape(TC_BLOCK // 128, 128)
                    + b_ref[...]).reshape(1, TC_BLOCK // 128, 128)


def _tc_projected(table, W, b):
    return pl.pallas_call(
        _tc_proj_body,
        grid=(TC_ROWS // TC_BLOCK,),
        in_specs=[
            pl.BlockSpec((TC_BLOCK, EMB), lambda i: (i, 0)),
            pl.BlockSpec((1, EMB), lambda i: (0, 0)),
            pl.BlockSpec((1, 1), lambda i: (0, 0)),
        ],
        out_specs=pl.BlockSpec((1, TC_BLOCK // 128, 128),
                               lambda i: (i, 0, 0)),
        out_shape=jax.ShapeDtypeStruct(
            (TC_ROWS // TC_BLOCK, TC_BLOCK // 128, 128), jnp.float32),
    )(table, W, b.reshape(1, 1).astype(jnp.float32))


def _sc_mesh():
    return plsc.VectorSubcoreMesh(core_axis_name="c", subcore_axis_name="s")


def _make_gather(n_idx):
    assert n_idx % (_NW * 16) == 0
    per_w = n_idx // _NW

    @functools.partial(
        pl.kernel,
        mesh=_sc_mesh(),
        compiler_params=_SC_PARAMS,
        out_type=jax.ShapeDtypeStruct((n_idx,), jnp.float32),
        scratch_types=[
            pltpu.VMEM((N_ROWS,), jnp.float32),
            pltpu.VMEM((per_w,), jnp.int32),
            pltpu.VMEM((per_w,), jnp.float32),
        ],
    )
    def gather_logsoftmax(s_hbm, x_hbm, out_hbm, s_v, idx_v, out_v):
        wid = lax.axis_index("s") * _NC + lax.axis_index("c")
        base = wid * per_w
        pltpu.sync_copy(s_hbm.at[pl.ds(0, N_ROWS)], s_v)
        pltpu.sync_copy(x_hbm.at[pl.ds(base, per_w)], idx_v)

        def body(i, carry):
            sl = pl.ds(i * 16, 16)
            v = plsc.load_gather(s_v, [idx_v[sl]])
            out_v[sl] = v - v
            return carry

        lax.fori_loop(0, per_w // 16, body, 0)
        pltpu.sync_copy(out_v, out_hbm.at[pl.ds(base, per_w)])

    return gather_logsoftmax


def kernel(x, table, W, b):
    B, L = x.shape
    b32 = b.astype(jnp.float32)
    s = _tc_projected(table, W, b32)
    gather = _make_gather(B * L)
    out_flat = gather(s.reshape(TC_ROWS), x.reshape(-1).astype(jnp.int32))
    return out_flat.reshape(B, L, 1)

# --- scband reference (transcript-rebuilt; emitter-appended) ---
"""Pipeline reference for scband-embd-77489799954452 (READ-ONLY COPY).

The authoritative reference and input builder live on the scoring server;
editing this copy changes nothing except your own understanding.
"""

import jax, jax.numpy as jnp
import numpy as np

N_LETTERS = 100000
EMB_SIZE = 512

def setup_inputs(seed: int = 0) -> dict:
    key = jax.random.key(seed)
    k1, k2, k3 = jax.random.split(key, 3)
    x = jax.random.randint(k1, (4096, 50), 0, N_LETTERS)
    table = jax.random.normal(k2, (N_LETTERS, EMB_SIZE), dtype=jnp.float32)
    W = jax.random.normal(k3, (1, EMB_SIZE), dtype=jnp.float32) * 0.02
    b = jnp.zeros((1,), dtype=jnp.float32)
    return {"x": x, "table": table, "W": W, "b": b}

def reference(x, table, W, b):
    # nn.Embedding lookup -> gather
    h = jnp.take(table, x, axis=0)  # [B, L, emb_size]
    # self.sif is None in the original module (would crash); treated as identity
    # self.last: Linear(512, 1)
    logits = h @ W.T + b  # [B, L, 1]
    # original returns nn.LogSoftmax(self.last(x)) (a module, a bug);
    # interpreted as log_softmax applied over the last dim
    return jax.nn.log_softmax(logits, axis=-1)

if __name__ == "__main__":
    import jax
    _d = setup_inputs()
    print(jax.jit(kernel)(*tuple(_d.values())))

</pallas_src>

<mosaic_0001>
#map = affine_map<(d0, d1) -> (0)>
module attributes {stable_mosaic.version = 14 : i64} {
  func.func @gather_logsoftmax(%arg0: i32, %arg1: i32, %arg2: memref<100096xf32, #tpu.memory_space<hbm>>, %arg3: memref<204800xi32, #tpu.memory_space<hbm>>, %arg4: memref<204800xf32, #tpu.memory_space<hbm>>, %arg5: memref<100000xf32, #tpu.memory_space<vmem>>, %arg6: memref<6400xi32, #tpu.memory_space<vmem>>, %arg7: memref<6400xf32, #tpu.memory_space<vmem>>) attributes {dimension_semantics = [#tpu.dimension_semantics<core_parallel>, #tpu.dimension_semantics<subcore_parallel>], iteration_bounds = array<i64: 2, 16>, scalar_prefetch = 0 : i64, scratch_operands = 3 : i64, tpu.core_type = #tpu.core_type<sc_vector_subcore>, window_params = [{transform_indices = #map}, {transform_indices = #map}, {transform_indices = #map}]} {
    %mul3A = arith.constant 2 : i32
    %mul3A_0 = arith.muli %arg1, %mul3A : i32
    %add3A = arith.addi %mul3A_0, %arg0 : i32
    %mul3A_1 = arith.constant 6400 : i32
    %mul3A_2 = arith.muli %add3A, %mul3A_1 : i32
    "tpu.region"() ({
      %run_scoped3A = tpu.sem_alloc : memref<!tpu.dma_semaphore, #tpu.memory_space<semaphore_mem>>
      %dma_start3A = arith.constant 0 : i32
      %dma_start3A_8 = tpu.memref_slice %arg2[%dma_start3A] : memref<100096xf32, #tpu.memory_space<hbm>> -> memref<100000xf32, #tpu.memory_space<hbm>>
      %dma_start3A_9 = arith.constant 0 : i32
      %dma_start3A_10 = tpu.memref_slice %arg2[%dma_start3A_9] : memref<100096xf32, #tpu.memory_space<hbm>> -> memref<100000xf32, #tpu.memory_space<hbm>>
      tpu.enqueue_dma source(%dma_start3A_10 : memref<100000xf32, #tpu.memory_space<hbm>>) target(%arg5 : memref<100000xf32, #tpu.memory_space<vmem>>) target_semaphore(%run_scoped3A : memref<!tpu.dma_semaphore, #tpu.memory_space<semaphore_mem>>)
      %dma_wait3A = arith.constant 0 : i32
      %dma_wait3A_11 = tpu.memref_slice %arg2[%dma_wait3A] : memref<100096xf32, #tpu.memory_space<hbm>> -> memref<100000xf32, #tpu.memory_space<hbm>>
      %dma_wait3A_12 = arith.constant 0 : i32
      %dma_wait3A_13 = tpu.memref_slice %arg2[%dma_wait3A_12] : memref<100096xf32, #tpu.memory_space<hbm>> -> memref<100000xf32, #tpu.memory_space<hbm>>
      tpu.wait_dma2 semaphore(%run_scoped3A : memref<!tpu.dma_semaphore, #tpu.memory_space<semaphore_mem>>) src(%dma_wait3A_13 : memref<100000xf32, #tpu.memory_space<hbm>>) dst(%arg5 : memref<100000xf32, #tpu.memory_space<vmem>>)
      tpu.yield
    }) : () -> ()
    "tpu.region"() ({
      %run_scoped3A = tpu.sem_alloc : memref<!tpu.dma_semaphore, #tpu.memory_space<semaphore_mem>>
      %dma_start3A = tpu.memref_slice %arg3[%mul3A_2] : memref<204800xi32, #tpu.memory_space<hbm>> -> memref<6400xi32, #tpu.memory_space<hbm>>
      %dma_start3A_8 = tpu.memref_slice %arg3[%mul3A_2] : memref<204800xi32, #tpu.memory_space<hbm>> -> memref<6400xi32, #tpu.memory_space<hbm>>
      tpu.enqueue_dma source(%dma_start3A_8 : memref<6400xi32, #tpu.memory_space<hbm>>) target(%arg6 : memref<6400xi32, #tpu.memory_space<vmem>>) target_semaphore(%run_scoped3A : memref<!tpu.dma_semaphore, #tpu.memory_space<semaphore_mem>>)
      %dma_wait3A = tpu.memref_slice %arg3[%mul3A_2] : memref<204800xi32, #tpu.memory_space<hbm>> -> memref<6400xi32, #tpu.memory_space<hbm>>
      %dma_wait3A_9 = tpu.memref_slice %arg3[%mul3A_2] : memref<204800xi32, #tpu.memory_space<hbm>> -> memref<6400xi32, #tpu.memory_space<hbm>>
      tpu.wait_dma2 semaphore(%run_scoped3A : memref<!tpu.dma_semaphore, #tpu.memory_space<semaphore_mem>>) src(%dma_wait3A_9 : memref<6400xi32, #tpu.memory_space<hbm>>) dst(%arg6 : memref<6400xi32, #tpu.memory_space<vmem>>)
      tpu.yield
    }) : () -> ()
    %scan3A = arith.constant 0 : i32
    %scan3A_3 = arith.constant 0 : i32
    %scan3A_4 = arith.constant 400 : i32
    %scan3A_5 = arith.addi %scan3A_3, %scan3A_4 : i32
    %scan3A_6 = arith.constant 1 : i32
    scf.for %scan3A_8 = %scan3A_3 to %scan3A_5 step %scan3A_6  : i32 {
      %mul3A_9 = arith.constant 16 : i32
      %mul3A_10 = arith.muli %scan3A_8, %mul3A_9 : i32
      %get3A = arith.index_cast %mul3A_10 : i32 to index
      %get3A_11 = tpu.vector_load %arg6[%get3A] {strides = array<i32>} : memref<6400xi32, #tpu.memory_space<vmem>>, vector<16xi32>,
      %gather3A = tpu.vector_load_idx %arg5[%get3A_11] : memref<100000xf32, #tpu.memory_space<vmem>>[vector<16xi32>], vector<16xf32>,
      %sub3A = arith.subf %gather3A, %gather3A : vector<16xf32>
      %swap3A = arith.index_cast %mul3A_10 : i32 to index
      %swap3A_12 = tpu.vector_load %arg7[%swap3A] {strides = array<i32>} : memref<6400xf32, #tpu.memory_space<vmem>>, vector<16xf32>,
      tpu.vector_store %arg7[%swap3A], %sub3A {strides = array<i32>} : memref<6400xf32, #tpu.memory_space<vmem>>, vector<16xf32>,
    }
    %scan3A_7 = arith.constant 400 : i32
    "tpu.region"() ({
      %run_scoped3A = tpu.sem_alloc : memref<!tpu.dma_semaphore, #tpu.memory_space<semaphore_mem>>
      %dma_start3A = tpu.memref_slice %arg4[%mul3A_2] : memref<204800xf32, #tpu.memory_space<hbm>> -> memref<6400xf32, #tpu.memory_space<hbm>>
      %dma_start3A_8 = tpu.memref_slice %arg4[%mul3A_2] : memref<204800xf32, #tpu.memory_space<hbm>> -> memref<6400xf32, #tpu.memory_space<hbm>>
      tpu.enqueue_dma source(%arg7 : memref<6400xf32, #tpu.memory_space<vmem>>) target(%dma_start3A_8 : memref<6400xf32, #tpu.memory_space<hbm>>) target_semaphore(%run_scoped3A : memref<!tpu.dma_semaphore, #tpu.memory_space<semaphore_mem>>)
      %dma_wait3A = tpu.memref_slice %arg4[%mul3A_2] : memref<204800xf32, #tpu.memory_space<hbm>> -> memref<6400xf32, #tpu.memory_space<hbm>>
      %dma_wait3A_9 = tpu.memref_slice %arg4[%mul3A_2] : memref<204800xf32, #tpu.memory_space<hbm>> -> memref<6400xf32, #tpu.memory_space<hbm>>
      tpu.wait_dma2 semaphore(%run_scoped3A : memref<!tpu.dma_semaphore, #tpu.memory_space<semaphore_mem>>) src(%arg7 : memref<6400xf32, #tpu.memory_space<vmem>>) dst(%dma_wait3A_9 : memref<6400xf32, #tpu.memory_space<hbm>>)
      tpu.yield
    }) : () -> ()
    return
  }
}

module attributes {stable_mosaic.version = 14 : i64} {
  func.func @_tc_proj_body(%arg0: i32, %arg1: memref<4352x512xf32, #tpu.memory_space<vmem>>, %arg2: memref<1x512xf32, #tpu.memory_space<vmem>>, %arg3: memref<1x1xf32, #tpu.memory_space<vmem>>, %arg4: memref<1x34x128xf32, #tpu.memory_space<vmem>>) attributes {dimension_semantics = [#tpu.dimension_semantics<arbitrary>], iteration_bounds = array<i64: 23>, scalar_prefetch = 0 : i64, scratch_operands = 0 : i64, tpu.core_type = #tpu.core_type<tc>, window_params = [{transform_indices = @transform_0, window_bounds = array<i64: 4352, 512>}, {pipeline_mode = #tpu.pipeline_mode<synchronous>, transform_indices = @transform_1, window_bounds = array<i64: 1, 512>}, {pipeline_mode = #tpu.pipeline_mode<synchronous>, transform_indices = @transform_2, window_bounds = array<i64: 1, 1>}, {transform_indices = @transform_3, window_bounds = array<i64: 1, 34, 128>}]} {
    %get3A = arith.constant 0 : index
    %get3A_0 = arith.constant 0 : index
    %get3A_1 = vector.load %arg1[%get3A, %get3A_0] : memref<4352x512xf32, #tpu.memory_space<vmem>>, vector<4352x512xf32>
    %get3A_2 = arith.constant 0 : index
    %get3A_3 = arith.constant 0 : index
    %get3A_4 = vector.load %arg2[%get3A_2, %get3A_3] : memref<1x512xf32, #tpu.memory_space<vmem>>, vector<1x512xf32>
    %mul3A = vector.broadcast %get3A_4 : vector<1x512xf32> to vector<4352x512xf32>
    %mul3A_5 = arith.mulf %get3A_1, %mul3A : vector<4352x512xf32>
    %reduce_sum3A = arith.constant dense<0.000000e+00> : vector<4352xf32>
    %reduce_sum3A_6 = vector.multi_reduction <add>, %mul3A_5, %reduce_sum3A [1] : vector<4352x512xf32> to vector<4352xf32>
    %reshape3A = vector.shape_cast %reduce_sum3A_6 : vector<4352xf32> to vector<34x128xf32>
    %get3A_7 = arith.constant 0 : index
    %get3A_8 = arith.constant 0 : index
    %get3A_9 = vector.load %arg3[%get3A_7, %get3A_8] : memref<1x1xf32, #tpu.memory_space<vmem>>, vector<1x1xf32>
    %add3A = vector.broadcast %get3A_9 : vector<1x1xf32> to vector<34x128xf32>
    %add3A_10 = arith.addf %reshape3A, %add3A : vector<34x128xf32>
    %reshape3A_11 = vector.shape_cast %add3A_10 : vector<34x128xf32> to vector<1x34x128xf32>
    %swap3A = arith.constant 0 : index
    %swap3A_12 = arith.constant 0 : index
    %swap3A_13 = arith.constant 0 : index
    %swap3A_14 = vector.load %arg4[%swap3A, %swap3A_12, %swap3A_13] : memref<1x34x128xf32, #tpu.memory_space<vmem>>, vector<1x34x128xf32>
    tpu.vector_store %arg4[%swap3A, %swap3A_12, %swap3A_13], %reshape3A_11 {strides = array<i32>} : memref<1x34x128xf32, #tpu.memory_space<vmem>>, vector<1x34x128xf32>,
    return
  }
  func.func @transform_0(%arg0: i32) -> (i32, i32) {
    %c0_i32 = arith.constant 0 : i32
    %c0_i32_0 = arith.constant 0 : i32
    return %arg0, %c0_i32 : i32, i32
  }
  func.func @transform_1(%arg0: i32) -> (i32, i32) {
    %c0_i32 = arith.constant 0 : i32
    %c0_i32_0 = arith.constant 0 : i32
    %c0_i32_1 = arith.constant 0 : i32
    return %c0_i32, %c0_i32_0 : i32, i32
  }
  func.func @transform_2(%arg0: i32) -> (i32, i32) {
    %c0_i32 = arith.constant 0 : i32
    %c0_i32_0 = arith.constant 0 : i32
    %c0_i32_1 = arith.constant 0 : i32
    return %c0_i32, %c0_i32_0 : i32, i32
  }
  func.func @transform_3(%arg0: i32) -> (i32, i32, i32) {
    %c0_i32 = arith.constant 0 : i32
    %c0_i32_0 = arith.constant 0 : i32
    %c0_i32_1 = arith.constant 0 : i32
    return %arg0, %c0_i32, %c0_i32_0 : i32, i32, i32
  }
}

</mosaic_0001>

<sc_bundles>
// kernel: kernel.4.cloned.1.call-start
scs
__scs_entry_jumppad:
0x0: {  	(pc) =	sbr.rel $0x88, $3  }
0x1: {  	(tag) =	ssettag $0x0;
	lr =	simm.s32 $0x1  }
0x2: {  	[smem:$0x3F9D] =	sst lr;
	_ =	strace $0xD0000000  }
0x3: {  	_ = 	snop  }
0x4: {  	_ = 	snop  }
0x5: {  	_ = 	snop  }
0x6: {  	_ = 	snop  }
0x7: {  	_ = 	snop  }
__scs_overlays_trampoline_lowered:
0x8: {  	[smem:$0x3FAC] =	sst s0  }
0x9: {  	[smem:$0x3FAD] =	sst s1  }
0xa: {  	[smem:$0x3FAE] =	sst s2  }
0xb: {  	[smem:$0x3FAF] =	sst s3  }
0xc: {  	[smem:$0x3FB0] =	sst s4  }
0xd: {  	[smem:$0x3FB1] =	sst s5  }
0xe: {  	[smem:$0x3FB2] =	sst s6  }
0xf: {  	[smem:$0x3FB3] =	sst s7  }
0x10: {  	[smem:$0x3FB4] =	sst s8  }
0x11: {  	[smem:$0x3FB5] =	sst s9;
	s0 =	simm.s32 @!p0 $0x0  }
0x12: {  	s1 =	sld [smem:$0x3F9B];
	s0 =	simm.s32 @p0 $0x1  }
0x13: {  	[smem:$0x3FB6] =	sst s0;
	s0 =	simm.s32 @!p1 $0x0  }
0x14: {  	s2 =	sld [smem:$0x3F9A];
	s0 =	simm.s32 @p1 $0x1  }
0x15: {  	[smem:$0x3FB7] =	sst s0;
	s0 =	simm.s32 @!p2 $0x0  }
0x16: {  	s3 =	sld [smem:$0x3FDB];
	s0 =	simm.s32 @p2 $0x1  }
0x17: {  	s4 =	simm.s32 $0x1BF5;
	[smem:$0x3FB9] =	sst s0  }
0x18: {  	s0 =	sld [smem:$0x3F9C];
	_ =	swait.ge [sflag:s4], $0x0  }
0x19: {  	s7 =	sld [smem:$0x3F9D]  }
0x1a: {  	s8 =	sadd.s32 $0xFFFFE003, lr  }
0x1b: {  	s9 =	sadd.s32 $0xFFFFFEF7, lr;
	s5 =	simm.s32 $0xFFFFFFFF;
	p2 =	slt.u32 s8, $0xFFFFF086  }
0x1c: {  	p1 =	slt.u32 s9, $0xF7A;
	s5 =	simm.s32 @!p2 $0x0  }
0x1d: {  	s5 =	simm.s32 @p1 $0x1;
	p0 =	seq.s32 s7, s2  }
0x1e: {  	s7 =	smul.u32 @!p0 $0xF7A, s2;
	p2 =	seq.s32 @!p0 s5, $0x0  }
0x1f: {  	s9 =	smul.u32 $0xF7A, s1;
	s8 =	simm.s32 @!p0 $0x1BF5;
	p2 =	por !p2, p0  }
0x20: {  	[sflag:s8] =	ssyncset.s32 @!p0 $0xFFFFF086;
	s6 =	sadd.s32 @!p0 s3, s7;
	s7 =	simm.s32 @!p0 $0x108  }
0x21: {  	s3 =	sadd.s32 s3, s9;
	s6 =	sadd.s32 @!p0 $0x88, s6;
	s7 =	simm.s32 @p2 $0x1082  }
0x22: {  	[simem:s7], [sflag:s8] =	dma.local @!p0 [hbm:s6], $0xF7A  }
0x23: {  	s9 =	sor.u32 $0xD0000000, s2;
	s6 =	simm.s32 $0x108;
	_ =	swait.ge @!p0 [sflag:s8], $0x0  }
0x24: {  	s3 =	sadd.s32 $0x88, s3;
	s6 =	simm.s32 @!p1 $0x1082;
	[sflag:s4] =	ssyncset.s32 $0xFFFFF086  }
0x25: {  	[simem:s6], [sflag:s4] =	dma.local [hbm:s3], $0xF7A  }
0x26: {  	[smem:$0x3F9D] =	sst s1;
	(tag) =	ssettag s2;
	_ =	strace s9  }
0x27: {  	s1 =	sld [smem:$0x3FAD]  }
0x28: {  	s2 =	sld [smem:$0x3FAE]  }
0x29: {  	s4 =	sld [smem:$0x3FB0]  }
0x2a: {  	p0 =	seq.s32 s5, $0x0;
	s5 =	sld [smem:$0x3FB1]  }
0x2b: {  	s6 =	sld [smem:$0x3FB2]  }
0x2c: {  	s7 =	sld [smem:$0x3FB3]  }
0x2d: {  	s3 =	simm.s32 $0x108;
	s8 =	sld [smem:$0x3FB4]  }
0x2e: {  	s3 =	simm.s32 @!p0 $0x1082;
	s9 =	sld [smem:$0x3FB5]  }
0x2f: {  	lr =	sadd.s32 s0, s3;
	s0 =	sld [smem:$0x3FAC]  }
0x30: {  	s3 =	sld [smem:$0x3FAF]  }
0x31: {  	[smem:$0x3FB8] =	sst s10  }
0x32: {  	s10 =	sld [smem:$0x3FB6];
	_ =	sdelay $0x3  }
0x33: {  	p0 =	seq.s32 s10, $0x1;
	s10 =	sld [smem:$0x3FB8];
	_ =	sdelay $0x3  }
0x34: {  	[smem:$0x3FB8] =	sst s10  }
0x35: {  	s10 =	sld [smem:$0x3FB7];
	_ =	sdelay $0x3  }
0x36: {  	p1 =	seq.s32 s10, $0x1;
	s10 =	sld [smem:$0x3FB8];
	_ =	sdelay $0x3  }
0x37: {  	[smem:$0x3FB8] =	sst s10  }
0x38: {  	s10 =	sld [smem:$0x3FB9]  }
0x39: {  	_ = 	snop;
	(pc) =	sbr.ind lr, $3  }
0x3a: {  	_ = 	snop  }
0x3b: {  	_ = 	snop  }
0x3c: {  	p2 =	seq.s32 s10, $0x1;
	s10 =	sld [smem:$0x3FB8]  }
0x3d: {  	_ =	shalt  }
0x3e: {  	_ =	shalt  }
0x3f: {  	_ =	shalt  }
0x40: {  	_ =	shalt  }
0x41: {  	_ =	shalt  }
0x42: {  	_ =	shalt  }
0x43: {  	_ =	shalt  }
0x44: {  	_ =	shalt  }
0x45: {  	_ =	shalt  }
0x46: {  	_ =	shalt  }
0x47: {  	_ =	shalt  }
0x48: {  	_ =	shalt  }
0x49: {  	_ =	shalt  }
0x4a: {  	_ =	shalt  }
0x4b: {  	_ =	shalt  }
0x4c: {  	_ =	shalt  }
0x4d: {  	_ =	shalt  }
0x4e: {  	_ =	shalt  }
0x4f: {  	_ =	shalt  }
0x50: {  	_ =	shalt  }
0x51: {  	_ =	shalt  }
0x52: {  	_ =	shalt  }
0x53: {  	_ =	shalt  }
0x54: {  	_ =	shalt  }
0x55: {  	_ =	shalt  }
0x56: {  	_ =	shalt  }
0x57: {  	_ =	shalt  }
0x58: {  	_ =	shalt  }
0x59: {  	_ =	shalt  }
0x5a: {  	_ =	shalt  }
0x5b: {  	_ =	shalt  }
0x5c: {  	_ =	shalt  }
0x5d: {  	_ =	shalt  }
0x5e: {  	_ =	shalt  }
0x5f: {  	_ =	shalt  }
0x60: {  	_ =	shalt  }
0x61: {  	_ =	shalt  }
0x62: {  	_ =	shalt  }
0x63: {  	_ =	shalt  }
0x64: {  	_ =	shalt  }
0x65: {  	_ =	shalt  }
0x66: {  	_ =	shalt  }
0x67: {  	_ =	shalt  }
0x68: {  	_ =	shalt  }
0x69: {  	_ =	shalt  }
0x6a: {  	_ =	shalt  }
0x6b: {  	_ =	shalt  }
0x6c: {  	_ =	shalt  }
0x6d: {  	_ =	shalt  }
0x6e: {  	_ =	shalt  }
0x6f: {  	_ =	shalt  }
0x70: {  	_ =	shalt  }
0x71: {  	_ =	shalt  }
0x72: {  	_ =	shalt  }
0x73: {  	_ =	shalt  }
0x74: {  	_ =	shalt  }
0x75: {  	_ =	shalt  }
0x76: {  	_ =	shalt  }
0x77: {  	_ =	shalt  }
0x78: {  	_ =	shalt  }
0x79: {  	_ =	shalt  }
0x7a: {  	_ =	shalt  }
0x7b: {  	_ =	shalt  }
0x7c: {  	_ =	shalt  }
0x7d: {  	_ =	shalt  }
0x7e: {  	_ =	shalt  }
0x7f: {  	_ =	shalt  }
0x80: {  	_ =	shalt  }
0x81: {  	_ =	shalt  }
0x82: {  	_ =	shalt  }
0x83: {  	_ =	shalt  }
0x84: {  	_ =	shalt  }
0x85: {  	_ =	shalt  }
0x86: {  	_ =	shalt  }
0x87: {  	_ =	shalt  }
.Lfunc_end0:
.L_simem_size_0:
called_computation_lowered:
.L_overlay_start_0:
0x88: {  	s2 =	sld [smem:$0x3FD9]  }
0x89: {  	s3 =	sld [smem:$0x3FFE];
	_ =	sdelay $0x1  }
0x8a: {  	s1 =	srdreg.scid  }
0x8b: {  	s0 =	sand.u32 $0x1, s1  }
0x8c: {  	s17 =	sshll.u32 s0, $0xA;
	s2 =	sadd.s32 s3, s2  }
0x8d: {  	s2 =	sadd.s32 s2, s17  }
0x8e: {  	[smem:$0x3FC4] =	sst s2  }
0x8f: {  	_ = 	snop  }
0x90: {  	s2 =	sld [smem:$0x3FD0];
	(tm) =	ssettm $0x1  }
0x91: {  	s18 =	sld [smem:$0x3FFB];
	_ =	sdelay $0x3  }
0x92: {  	_ =	strace s18  }
0x93: {  	s3 =	sld [smem:$0x3FFC];
	_ =	sdelay $0x3  }
0x94: {  	_ =	strace s3  }
0x95: {  	s3 =	sld [smem:$0x3FFD];
	_ =	sdelay $0x3  }
0x96: {  	_ =	strace s3  }
0x97: {  	_ =	strace $0x8FFFFFFF  }
0x98: {  	s19 =	sld [smem:$0x3FDB];
	_ =	sdelay $0x1  }
0x99: {  	s4 =	simm.s32 $_scs_section_size  }
0x9a: {  	s5 =	simm.s32 $_size__tile_overlayer_lowered;
	s6 =	simm.s32 $_tile_overlayer_lowered  }
0x9b: {  	s22 =	simm.s32 $0x1BFF;
	s21 =	sshll.u32 s6, $0x1;
	s3 =	sadd.s32 s4, s19  }
0x9c: {  	s7 =	simm.s32 $0x0;
	s20 =	sshll.u32 s5, $0x1;
	s5 =	sadd.s32 s21, s3  }
0x9d: {  	[timem:s7], [sflag:s22] =	dma.local [hbm:s5], s20  }
0x9e: {  	_ =	swait.ge [sflag:s22], s20  }
0x9f: {  	s4 =	ssub.s32 $0x0, s20;
	[sflag:s22] =	ssyncset.done $0x0  }
0xa0: {  	[sflag:s22] =	ssyncadd.s32 s4;
	_ =	sdelay $0x1  }
0xa1: {  	s23 =	simm.s32 $0x1B8B  }
0xa2: {  	_ =	swait.ge [sflag:s23], $0x1  }
0xa3: {  	[sflag:s23] =	ssyncset.done $0x0  }
0xa4: {  	s25 =	simm.s32 $0x1B8E;
	s24 =	sld [smem:$0x3FFE];
	[sflag:s23] =	ssyncadd.s32 $0xFFFFFFFF  }
0xa5: {  	s26 =	simm.s32 $execute0_lowered;
	[smem:$0x3FD2] =	sst s25  }
0xa6: {  	s5 =	sshll.u32 s26, $0x1;
	_ =	strace $0x80000046;
	[dreg:$0x1] =	wrdreg $0xFFFFFFFF  }
0xa7: {  	s28 =	simm.s32 $_size_execute0_lowered;
	s3 =	sadd.s32 s3, s5;
	[dreg:$0x0] =	wrdreg $0x0  }
0xa8: {  	s5 =	sshll.u32 s28, $0x1;
	[dreg:$0x2] =	wrdreg s3  }
0xa9: {  	[dreg:$0x3] =	wrdreg s5  }
0xaa: {  	[dreg:$0x4] =	wrdreg $0xC0  }
0xab: {  	_ =	task [dreg:s7], $0x5FFFF  }
0xac: {  	[dreg:$0x1] =	wrdreg $0xFFFFFFFF  }
0xad: {  	[dreg:$0x0] =	wrdreg $0x60  }
0xae: {  	[dreg:$0x2] =	wrdreg s24  }
0xaf: {  	[dreg:$0x3] =	wrdreg s2  }
0xb0: {  	[dreg:$0x4] =	wrdreg $0x9  }
0xb1: {  	_ =	task.clear_ibuf [dreg:s7], $0x5FFFF;
	_ =	strace $0x90000046  }
0xb2: {  	s29 =	simm.s32 $0x9;
	_ =	strace $0x80000048  }
0xb3: {  	_ =	swait.ge [sflag:s29], $0x1  }
0xb4: {  	[sflag:s29] =	ssyncadd.s32 $0xFFFFFFFF  }
0xb5: {  	_ =	strace $0x90000048  }
0xb6: {  	_ =	sfence  }
0xb7: {  	s30 =	sld [smem:$0x0];
	_ =	sdelay $0x2  }
0xb8: {  	s31 =	sshll.u32 s1, $0xD;
	s1 =	sshrl.u32 s1, $0x2  }
0xb9: {  	s3 =	sand.u32 $0x4000, s31;
	s1 =	sadd.s32 s1, s30  }
0xba: {  	s0 =	sor.u32 s3, s0;
	s1 =	sshll.u32 s1, $0x11  }
0xbb: {  	s0 =	sor.u32 s1, s0  }
0xbc: {  	s0 =	sadd.s32 $0x8F2B, s0  }
0xbd: {  	[sflag:s0] =	ssyncadd.remote.s32 $0x1  }
0xbe: {  	_ =	sfence.sel $0xFFFF  }
0xbf: {  	[dreg:$0x0] =	wrdreg $0xFFFFFFFF;
	(pc) =	sbr.abs _section_cstart, $3  }
0xc0: {  	[dreg:$0x1] =	wrdreg $0xFFFFFFFF  }
0xc1: {  	_ =	task.clear_ibuf [dreg:s7], $0x2FFFF;
	_ =	strace $0x9FFFFFFF  }
0xc2: {  	(tm) =	ssettm $0x7FFFFFFF  }
0xc3: {  	_ =	shalt  }
tec
execute0_lowered:
.L_overlay_start_1:
0x0: {  	(tag) =	ssettag $0x1  }
0x1: {  	s4 =	rddreg [dreg:$0x0]  }
0x2: {  	s1 =	srdreg.scid;
	s0 =	stileid.u32  }
0x3: {  	s5 =	rddreg [dreg:$0x1];
	s2 =	simm.s32 $0x0;
	s10 =	simm.s32 $0x0  }
0x4: {  	s3 =	sand.u32 $0x1, s1;
	s6 =	sshll.u32 s0, $0x1;
	s1 =	rddreg [dreg:$0x2]  }
0x5: {  	[smem:$0x7FF] =	sst s2;
	s6 =	sor.u32 s3, s6;
	s7 =	ssub.s32 $0x2, s3  }
0x6: {  	_ =	strace $0x80000047;
	s6 =	smul.u32 $0x320, s6;
	s8 =	sshrl.u32 s7, $0x1  }
0x7: {  	s3 =	sadd.s32 $0x600, s4;
	s7 =	ssub.s32 s7, s8;
	s8 =	simm.s32 $0x18700  }
0x8: {  	s9 =	sadd.s32 s6, s4;
	s4 =	sadd.s32 s5, s6;
	s6 =	smax.u32 s7, $0x1  }
0x9: {  	s7 =	simm.s32 $0x1;
	s5 =	sadd.s32 $0x3800, s9;
	s9 =	simm.s32 $0x1A000  }
.LBB2_1:
0xa: {  	[tilespmem:s2], [sflag:$0x1] =	stream.linear.gather [hbm4b:s3+s2], $0x186A0, $0x38;
	[tilespmem:$0x1B900] =	vst v63  }
0xb: {  	_ =	swait.ge [sflag:s7], $0x186A0  }
0xc: {  	[sflag:s7] =	ssyncset.done $0x0  }
0xd: {  	[sflag:s7] =	ssyncadd.s32 $0xFFFE7960  }
0xe: {  	[tilespmem:s8], [sflag:$0x1] =	stream.linear.gather [hbm4b:s4+s2], $0x1900, $0x38;
	[tilespmem:$0x1B900] =	vst v63  }
0xf: {  	_ =	swait.ge [sflag:s7], $0x1900  }
0x10: {  	[sflag:s7] =	ssyncset.done $0x0  }
0x11: {  	s11 =	simm.s32 $0x0;
	[sflag:s7] =	ssyncadd.s32 $0xFFFFE700  }
0x12: {  	v0 =	vld [tilespmem:s11+$0x18700];
	_ =	sdelay $0x7  }
0x13: {  	s12 =	simm.s32 $0x10;
	s13 =	simm.s32 $0x80;
	v0 =	vld.idx.msk [tilespmem:v0+s2+$0x0], $0xffff  }
.LBB2_2:
0x14: {  	p0 =	sne.s32 s13, $0x63C0;
	v1 =	vld [tilespmem:s12+$0x18700];
	_ =	sdelay $0x3  }
.Ltmp0:
0x15: {  	(pc) =	sbr.rel @p0 .LBB2_2-.Ltmp0, $3  }
0x16: {  	v0 =	vsub.f32 v0, v0;
	_ =	sdelay $0x1  }
0x17: {  	[tilespmem:s11+$0x1A000] =	vst v0;
	s11 =	smov.u32 s12  }
0x18: {  	s12 =	sshra.s32 s13, $0x2;
	s13 =	sadd.s32 $0x40, s13;
	v0 =	vld.idx.msk [tilespmem:v1+s2+$0x0], $0xffff  }
0x19: {  	v1 =	vld [tilespmem:s12+$0x18700];
	_ =	sdelay $0x4  }
0x1a: {  	v0 =	vsub.f32 v0, v0;
	_ =	sdelay $0x1  }
0x1b: {  	[tilespmem:s11+$0x1A000] =	vst v0  }
0x1c: {  	v0 =	vld.idx.msk [tilespmem:v1+s2+$0x0], $0xffff;
	_ =	sdelay $0x4  }
0x1d: {  	s10 =	sadd.s32 $0x1, s10;
	v0 =	vsub.f32 v0, v0  }
0x1e: {  	p0 =	sne.s32 s10, s6  }
.Ltmp1:
0x1f: {  	[tilespmem:s12+$0x1A000] =	vst v0;
	(pc) =	sbr.rel @p0 .LBB2_1-.Ltmp1, $4  }
0x20: {  	[hbm4b:s5+s2] =	stream.linear.scatter [tilespmem:s9], [sflag:$0x1], $0x1900, $0x38;
	[tilespmem:$0x1B900] =	vst v63  }
0x21: {  	_ =	swait.ge [sflag:s7], $0x1900  }
0x22: {  	[sflag:s7] =	ssyncset.done $0x0  }
0x23: {  	[sflag:s7] =	ssyncadd.s32 $0xFFFFE700  }
0x24: {  	_ =	sfence.sel $0x180000  }
0x25: {  	[bflag:$0x0] =	sbarrier.arrive $0xFFFF  }
0x26: {  	p0 =	sne.s32 s0, $0x0;
	_ =	strace $0x90000047  }
0x27: {  	s0 =	sadd.s32 @!p0 $0x100000, s1;
	[bflag:$0x2] =	sbarrier.arrive $0xFFFF  }
0x28: {  	[sflag:s0] =	ssyncadd.tile.s32 @!p0 $0x1;
	_ =	shalt  }
.Lfunc_end2:
_tile_overlayer_lowered:
.L_overlay_start_2:
0x29: {  	(tag) =	ssettag $0x2  }
0x2a: {  	s0 =	rddreg [dreg:$0x0];
	s2 =	stileid.u32  }
0x2b: {  	s1 =	rddreg [dreg:$0x1];
	p0 =	sne.s32 s2, $0x0  }
0x2c: {  	s3 =	rddreg [dreg:$0x2];
	[bflag:$0x3] =	sbarrier.arrive $0xFFFF;
	s2 =	simm.s32 @!p0 $0x1C01  }
0x2d: {  	[timem:s3], [sflag:s2] =	dma.local @!p0 [hbm:s0], s1  }
0x2e: {  	s0 =	simm.s32 @!p0 $0x1  }
0x2f: {  	_ =	swait.ge @!p0 [sflag:s0], s1  }
0x30: {  	s1 =	ssub.s32 @!p0 $0x0, s1;
	[sflag:s0] =	ssyncset.done @!p0 $0x0  }
0x31: {  	[sflag:s0] =	ssyncadd.s32 @!p0 s1  }
0x32: {  	[bflag:$0x3] =	sbarrier.arrive $0xFFFF  }
0x33: {  	_ =	shalt  }

</sc_bundles>
